<compile_context>
chip_gen: v7x
topology: tpu7x:2x2x1
jax: 0.10.2.dev20260603
libtpu: 0.0.44.dev20260713+nightly
codegen_flags: <defaults>
</compile_context>

<pallas_src>
import functools

import jax
import jax.numpy as jnp
from jax import lax
from jax.experimental import pallas as pl
from jax.experimental.pallas import tpu as pltpu
from jax.experimental.pallas import tpu_sc as plsc

NC = 2
NS = 16
NW = NC * NS
CHUNK = 128
EB = 2048
NF = 128
TC_BLK = 1280


def _make_agg_kernel(n_pad, n_chunks, d):
    rows = n_pad // NS

    @functools.partial(
        pl.kernel,
        out_type=jax.ShapeDtypeStruct((NC, n_pad, d), jnp.float32),
        mesh=plsc.VectorSubcoreMesh(core_axis_name="c", subcore_axis_name="s"),
        scratch_types=[
            pltpu.VMEM((n_chunks, CHUNK), jnp.int32),
            pltpu.VMEM((n_chunks, CHUNK), jnp.int32),
            pltpu.VMEM((CHUNK, d), jnp.float32),
            pltpu.VMEM_SHARED((n_pad, d), jnp.float32),
        ],
    )
    def agg_kernel(g_hbm, src_hbm, dst_hbm, zrows_hbm, part_hbm,
                   src_v, dst_v, rows_v, acc):
        c = lax.axis_index("c")
        s = lax.axis_index("s")
        wid = c * NS + s
        pltpu.sync_copy(src_hbm.at[wid], src_v)
        pltpu.sync_copy(dst_hbm.at[wid], dst_v)
        pltpu.sync_copy(zrows_hbm, acc.at[pl.ds(s * rows, rows)])
        plsc.subcore_barrier()

        def body(j, carry):
            pltpu.sync_copy(g_hbm.at[src_v.at[j]], rows_v)
            pltpu.sync_copy(rows_v, acc.at[dst_v.at[j]], add=True)
            return carry

        lax.fori_loop(0, n_chunks, body, 0)
        plsc.subcore_barrier()
        pltpu.sync_copy(acc.at[pl.ds(s * rows, rows)],
                        part_hbm.at[c, pl.ds(s * rows, rows)])

    return agg_kernel


def _make_hist_body(nc_bins):
    def _hist_body(dst_ref, o_ref):
        i = pl.program_id(0)

        @pl.when(i == 0)
        def _():
            o_ref[...] = jnp.zeros_like(o_ref)

        d = dst_ref[0]
        cid = lax.broadcasted_iota(jnp.int32, (nc_bins, 1), 0)
        fid = lax.broadcasted_iota(jnp.int32, (NF, 1), 0)
        oc = ((d >> 7) == cid).astype(jnp.bfloat16)
        of = ((d & (NF - 1)) == fid).astype(jnp.bfloat16)
        o_ref[...] += lax.dot_general(
            oc, of, (((1,), (1,)), ((), ())),
            preferred_element_type=jnp.float32)

    return _hist_body


def _g_body(x_ref, w_ref, deg_ref, g_ref):
    dis = lax.rsqrt(1.0 + deg_ref[...])
    g_ref[...] = jnp.dot(x_ref[...], w_ref[...],
                         preferred_element_type=jnp.float32) * dis


def _out_body(parts_ref, g_ref, deg_ref, b_ref, o_ref):
    dis = lax.rsqrt(1.0 + deg_ref[...])
    o_ref[...] = dis * (parts_ref[0] + parts_ref[1] + g_ref[...]) + b_ref[...]


def kernel(x, edge_index, W, b):
    n, d = x.shape
    e = edge_index.shape[1]
    n_pad = -(-n // TC_BLK) * TC_BLK
    if n_pad == n:
        n_pad += TC_BLK
    n_chunks = -(-e // (NW * CHUNK))
    per_tile = n_chunks * CHUNK
    e_pad = NW * per_tile
    n_eblk = e_pad // EB

    ei = edge_index.astype(jnp.int32)
    pad = jnp.full((e_pad - e,), n, jnp.int32)
    src = jnp.concatenate([ei[0], pad]).reshape(NW, n_chunks, CHUNK)
    dst_flat = jnp.concatenate([ei[1], pad])
    dst = dst_flat.reshape(NW, n_chunks, CHUNK)
    x_pad = jnp.pad(x, ((0, n_pad - n), (0, 0)))
    z_rows = jnp.zeros((n_pad // NS, d), jnp.float32)

    nc_bins = n_pad // NF
    hist = pl.pallas_call(
        _make_hist_body(nc_bins),
        grid=(n_eblk,),
        in_specs=[pl.BlockSpec((1, 1, EB), lambda i: (i, 0, 0))],
        out_specs=pl.BlockSpec((nc_bins, NF), lambda i: (0, 0)),
        out_shape=jax.ShapeDtypeStruct((nc_bins, NF), jnp.float32),
    )(dst_flat.reshape(n_eblk, 1, EB))
    deg_col = hist.reshape(n_pad, 1)

    grid = (n_pad // TC_BLK,)
    g = pl.pallas_call(
        _g_body,
        grid=grid,
        in_specs=[
            pl.BlockSpec((TC_BLK, d), lambda i: (i, 0)),
            pl.BlockSpec((d, d), lambda i: (0, 0)),
            pl.BlockSpec((TC_BLK, 1), lambda i: (i, 0)),
        ],
        out_specs=pl.BlockSpec((TC_BLK, d), lambda i: (i, 0)),
        out_shape=jax.ShapeDtypeStruct((n_pad, d), jnp.float32),
    )(x_pad, W, deg_col)

    parts = _make_agg_kernel(n_pad, n_chunks, d)(g, src, dst, z_rows)

    out_full = pl.pallas_call(
        _out_body,
        grid=grid,
        in_specs=[
            pl.BlockSpec((NC, TC_BLK, d), lambda i: (0, i, 0)),
            pl.BlockSpec((TC_BLK, d), lambda i: (i, 0)),
            pl.BlockSpec((TC_BLK, 1), lambda i: (i, 0)),
            pl.BlockSpec((1, d), lambda i: (0, 0)),
        ],
        out_specs=pl.BlockSpec((TC_BLK, d), lambda i: (i, 0)),
        out_shape=jax.ShapeDtypeStruct((n_pad, d), jnp.float32),
    )(parts, g, deg_col, b.reshape(1, d))

    return out_full[:n]

# --- scband reference (transcript-rebuilt; emitter-appended) ---
"""Pipeline reference for scband-gnnlayer-2396591751270 (READ-ONLY COPY).

The authoritative reference and input builder live on the scoring server;
editing this copy changes nothing except your own understanding.
"""

import jax, jax.numpy as jnp
import numpy as np

N_NODES = 10000
N_EDGES = 320000
IN_DIM = 128
OUT_DIM = 128

def setup_inputs(seed: int = 0) -> dict:
    key = jax.random.key(seed)
    k1, k2, k3, k4 = jax.random.split(key, 4)
    x = jax.random.normal(k1, (N_NODES, IN_DIM), dtype=jnp.float32)
    edge_index = jax.random.randint(k2, (2, N_EDGES), 0, N_NODES, dtype=jnp.int64)
    # GCNConv linear weight (PyG: lin = Linear(in, out, bias=False); conv has its own bias)
    glorot = (6.0 / (IN_DIM + OUT_DIM)) ** 0.5
    W = jax.random.uniform(k3, (IN_DIM, OUT_DIM), dtype=jnp.float32, minval=-glorot, maxval=glorot)
    b = jnp.zeros((OUT_DIM,), dtype=jnp.float32)
    return {"x": x, "edge_index": edge_index, "W": W, "b": b}

def reference(x, edge_index, W, b):
    # Faithful GCNConv (PyG semantics): add self-loops, symmetric normalization,
    # linear transform, mean-free scatter-add aggregation, then bias.
    N = x.shape[0]
    src = edge_index[0]
    dst = edge_index[1]
    loop = jnp.arange(N, dtype=edge_index.dtype)
    src = jnp.concatenate([src, loop])
    dst = jnp.concatenate([dst, loop])
    edge_weight = jnp.ones(src.shape[0], dtype=x.dtype)
    # degree computed on destination nodes (flow: source_to_target)
    deg = jnp.zeros((N,), dtype=x.dtype).at[dst].add(edge_weight)
    deg_inv_sqrt = jnp.where(deg > 0, deg ** -0.5, 0.0)
    norm = deg_inv_sqrt[src] * edge_weight * deg_inv_sqrt[dst]
    # linear transform
    h = x @ W
    # message: norm * h[src]; aggregate: scatter-add into dst
    msg = h[src] * norm[:, None]
    out = jnp.zeros((N, W.shape[1]), dtype=x.dtype).at[dst].add(msg)
    return out + b

if False:  # reference __main__ guard neutralized (emitter)
    inp = setup_inputs()
    out = reference(**inp)
    print(out.shape, out.dtype)

if __name__ == "__main__":
    import jax
    _d = setup_inputs()
    print(jax.jit(kernel)(*tuple(_d.values())))

</pallas_src>

<mosaic_0001>
#map = affine_map<(d0, d1) -> (0, 0)>
#map1 = affine_map<(d0, d1) -> (0, 0, 0)>
module attributes {stable_mosaic.version = 14 : i64} {
  func.func @agg_kernel(%arg0: i32, %arg1: i32, %arg2: memref<10240x128xf32, #tpu.memory_space<hbm>>, %arg3: memref<32x79x128xi32, #tpu.memory_space<hbm>>, %arg4: memref<32x79x128xi32, #tpu.memory_space<hbm>>, %arg5: memref<640x128xf32, #tpu.memory_space<hbm>>, %arg6: memref<2x10240x128xf32, #tpu.memory_space<hbm>>, %arg7: memref<79x128xi32, #tpu.memory_space<vmem>>, %arg8: memref<79x128xi32, #tpu.memory_space<vmem>>, %arg9: memref<128x128xf32, #tpu.memory_space<vmem>>, %arg10: memref<10240x128xf32, #tpu.memory_space<vmem_shared>>) attributes {dimension_semantics = [#tpu.dimension_semantics<core_parallel>, #tpu.dimension_semantics<subcore_parallel>], iteration_bounds = array<i64: 2, 16>, scalar_prefetch = 0 : i64, scratch_operands = 4 : i64, tpu.core_type = #tpu.core_type<sc_vector_subcore>, window_params = [{transform_indices = #map}, {transform_indices = #map1}, {transform_indices = #map1}, {transform_indices = #map}, {transform_indices = #map1}]} {
    %mul3A = arith.constant 16 : i32
    %mul3A_0 = arith.muli %arg0, %mul3A : i32
    %add3A = arith.addi %mul3A_0, %arg1 : i32
    "tpu.region"() ({
      %run_scoped3A = tpu.sem_alloc : memref<!tpu.dma_semaphore, #tpu.memory_space<semaphore_mem>>
      %dma_start3A = arith.constant 0 : i32
      %dma_start3A_13 = arith.constant 0 : i32
      %dma_start3A_14 = tpu.memref_slice %arg3[%add3A, %dma_start3A, %dma_start3A_13] : memref<32x79x128xi32, #tpu.memory_space<hbm>> -> memref<1x79x128xi32, #tpu.memory_space<hbm>>
      %dma_start3A_15 = tpu.memref_squeeze %dma_start3A_14 : memref<1x79x128xi32, #tpu.memory_space<hbm>> -> memref<79x128xi32, #tpu.memory_space<hbm>>
      %dma_start3A_16 = arith.constant 0 : i32
      %dma_start3A_17 = arith.constant 0 : i32
      %dma_start3A_18 = tpu.memref_slice %arg3[%add3A, %dma_start3A_16, %dma_start3A_17] : memref<32x79x128xi32, #tpu.memory_space<hbm>> -> memref<1x79x128xi32, #tpu.memory_space<hbm>>
      %dma_start3A_19 = tpu.memref_squeeze %dma_start3A_18 : memref<1x79x128xi32, #tpu.memory_space<hbm>> -> memref<79x128xi32, #tpu.memory_space<hbm>>
      tpu.enqueue_dma source(%dma_start3A_19 : memref<79x128xi32, #tpu.memory_space<hbm>>) target(%arg7 : memref<79x128xi32, #tpu.memory_space<vmem>>) target_semaphore(%run_scoped3A : memref<!tpu.dma_semaphore, #tpu.memory_space<semaphore_mem>>)
      %dma_wait3A = arith.constant 0 : i32
      %dma_wait3A_20 = arith.constant 0 : i32
      %dma_wait3A_21 = tpu.memref_slice %arg3[%add3A, %dma_wait3A, %dma_wait3A_20] : memref<32x79x128xi32, #tpu.memory_space<hbm>> -> memref<1x79x128xi32, #tpu.memory_space<hbm>>
      %dma_wait3A_22 = tpu.memref_squeeze %dma_wait3A_21 : memref<1x79x128xi32, #tpu.memory_space<hbm>> -> memref<79x128xi32, #tpu.memory_space<hbm>>
      %dma_wait3A_23 = arith.constant 0 : i32
      %dma_wait3A_24 = arith.constant 0 : i32
      %dma_wait3A_25 = tpu.memref_slice %arg3[%add3A, %dma_wait3A_23, %dma_wait3A_24] : memref<32x79x128xi32, #tpu.memory_space<hbm>> -> memref<1x79x128xi32, #tpu.memory_space<hbm>>
      %dma_wait3A_26 = tpu.memref_squeeze %dma_wait3A_25 : memref<1x79x128xi32, #tpu.memory_space<hbm>> -> memref<79x128xi32, #tpu.memory_space<hbm>>
      tpu.wait_dma2 semaphore(%run_scoped3A : memref<!tpu.dma_semaphore, #tpu.memory_space<semaphore_mem>>) src(%dma_wait3A_26 : memref<79x128xi32, #tpu.memory_space<hbm>>) dst(%arg7 : memref<79x128xi32, #tpu.memory_space<vmem>>)
      tpu.yield
    }) : () -> ()
    "tpu.region"() ({
      %run_scoped3A = tpu.sem_alloc : memref<!tpu.dma_semaphore, #tpu.memory_space<semaphore_mem>>
      %dma_start3A = arith.constant 0 : i32
      %dma_start3A_13 = arith.constant 0 : i32
      %dma_start3A_14 = tpu.memref_slice %arg4[%add3A, %dma_start3A, %dma_start3A_13] : memref<32x79x128xi32, #tpu.memory_space<hbm>> -> memref<1x79x128xi32, #tpu.memory_space<hbm>>
      %dma_start3A_15 = tpu.memref_squeeze %dma_start3A_14 : memref<1x79x128xi32, #tpu.memory_space<hbm>> -> memref<79x128xi32, #tpu.memory_space<hbm>>
      %dma_start3A_16 = arith.constant 0 : i32
      %dma_start3A_17 = arith.constant 0 : i32
      %dma_start3A_18 = tpu.memref_slice %arg4[%add3A, %dma_start3A_16, %dma_start3A_17] : memref<32x79x128xi32, #tpu.memory_space<hbm>> -> memref<1x79x128xi32, #tpu.memory_space<hbm>>
      %dma_start3A_19 = tpu.memref_squeeze %dma_start3A_18 : memref<1x79x128xi32, #tpu.memory_space<hbm>> -> memref<79x128xi32, #tpu.memory_space<hbm>>
      tpu.enqueue_dma source(%dma_start3A_19 : memref<79x128xi32, #tpu.memory_space<hbm>>) target(%arg8 : memref<79x128xi32, #tpu.memory_space<vmem>>) target_semaphore(%run_scoped3A : memref<!tpu.dma_semaphore, #tpu.memory_space<semaphore_mem>>)
      %dma_wait3A = arith.constant 0 : i32
      %dma_wait3A_20 = arith.constant 0 : i32
      %dma_wait3A_21 = tpu.memref_slice %arg4[%add3A, %dma_wait3A, %dma_wait3A_20] : memref<32x79x128xi32, #tpu.memory_space<hbm>> -> memref<1x79x128xi32, #tpu.memory_space<hbm>>
      %dma_wait3A_22 = tpu.memref_squeeze %dma_wait3A_21 : memref<1x79x128xi32, #tpu.memory_space<hbm>> -> memref<79x128xi32, #tpu.memory_space<hbm>>
      %dma_wait3A_23 = arith.constant 0 : i32
      %dma_wait3A_24 = arith.constant 0 : i32
      %dma_wait3A_25 = tpu.memref_slice %arg4[%add3A, %dma_wait3A_23, %dma_wait3A_24] : memref<32x79x128xi32, #tpu.memory_space<hbm>> -> memref<1x79x128xi32, #tpu.memory_space<hbm>>
      %dma_wait3A_26 = tpu.memref_squeeze %dma_wait3A_25 : memref<1x79x128xi32, #tpu.memory_space<hbm>> -> memref<79x128xi32, #tpu.memory_space<hbm>>
      tpu.wait_dma2 semaphore(%run_scoped3A : memref<!tpu.dma_semaphore, #tpu.memory_space<semaphore_mem>>) src(%dma_wait3A_26 : memref<79x128xi32, #tpu.memory_space<hbm>>) dst(%arg8 : memref<79x128xi32, #tpu.memory_space<vmem>>)
      tpu.yield
    }) : () -> ()
    %mul3A_1 = arith.constant 640 : i32
    %mul3A_2 = arith.muli %arg1, %mul3A_1 : i32
    "tpu.region"() ({
      %run_scoped3A = tpu.sem_alloc : memref<!tpu.dma_semaphore, #tpu.memory_space<semaphore_mem>>
      %dma_start3A = arith.constant 0 : i32
      %dma_start3A_13 = tpu.memref_slice %arg10[%mul3A_2, %dma_start3A] : memref<10240x128xf32, #tpu.memory_space<vmem_shared>> -> memref<640x128xf32, #tpu.memory_space<vmem_shared>>
      tpu.enqueue_dma source(%arg5 : memref<640x128xf32, #tpu.memory_space<hbm>>) target(%dma_start3A_13 : memref<640x128xf32, #tpu.memory_space<vmem_shared>>) target_semaphore(%run_scoped3A : memref<!tpu.dma_semaphore, #tpu.memory_space<semaphore_mem>>)
      %dma_wait3A = arith.constant 0 : i32
      %dma_wait3A_14 = tpu.memref_slice %arg10[%mul3A_2, %dma_wait3A] : memref<10240x128xf32, #tpu.memory_space<vmem_shared>> -> memref<640x128xf32, #tpu.memory_space<vmem_shared>>
      tpu.wait_dma2 semaphore(%run_scoped3A : memref<!tpu.dma_semaphore, #tpu.memory_space<semaphore_mem>>) src(%arg5 : memref<640x128xf32, #tpu.memory_space<hbm>>) dst(%dma_wait3A_14 : memref<640x128xf32, #tpu.memory_space<vmem_shared>>)
      tpu.yield
    }) : () -> ()
    %barrier3A = arith.constant 0 : index
    tpu.barrier barrier_id(%barrier3A)
    %scan3A = arith.constant 0 : i32
    %scan3A_3 = arith.constant 0 : i32
    %scan3A_4 = arith.constant 79 : i32
    %scan3A_5 = arith.addi %scan3A_3, %scan3A_4 : i32
    %scan3A_6 = arith.constant 1 : i32
    scf.for %scan3A_13 = %scan3A_3 to %scan3A_5 step %scan3A_6  : i32 {
      "tpu.region"() ({
        %run_scoped3A = tpu.sem_alloc : memref<!tpu.dma_semaphore, #tpu.memory_space<semaphore_mem>>
        %dma_start3A = arith.constant 0 : i32
        %dma_start3A_14 = tpu.memref_slice %arg7[%scan3A_13, %dma_start3A] : memref<79x128xi32, #tpu.memory_space<vmem>> -> memref<1x128xi32, #tpu.memory_space<vmem>>
        %dma_start3A_15 = tpu.memref_squeeze %dma_start3A_14 : memref<1x128xi32, #tpu.memory_space<vmem>> -> memref<128xi32, #tpu.memory_space<vmem>>
        %dma_start3A_16 = arith.constant 0 : i32
        %dma_start3A_17 = arith.constant 0 : i32
        %dma_start3A_18 = tpu.memref_slice %arg2[%dma_start3A_16, %dma_start3A_17] : memref<10240x128xf32, #tpu.memory_space<hbm>> -> memref<10240x128xf32, #tpu.memory_space<hbm>>
        tpu.enqueue_indirect_dma source(%dma_start3A_18 : memref<10240x128xf32, #tpu.memory_space<hbm>>) target(%arg9 : memref<128x128xf32, #tpu.memory_space<vmem>>) offsets(%dma_start3A_15 : memref<128xi32, #tpu.memory_space<vmem>>) semaphore(%run_scoped3A : memref<!tpu.dma_semaphore, #tpu.memory_space<semaphore_mem>>)
        %dma_wait3A = arith.constant 0 : i32
        %dma_wait3A_19 = tpu.memref_slice %arg7[%scan3A_13, %dma_wait3A] : memref<79x128xi32, #tpu.memory_space<vmem>> -> memref<1x128xi32, #tpu.memory_space<vmem>>
        %dma_wait3A_20 = tpu.memref_squeeze %dma_wait3A_19 : memref<1x128xi32, #tpu.memory_space<vmem>> -> memref<128xi32, #tpu.memory_space<vmem>>
        %dma_wait3A_21 = arith.constant 0 : i32
        %dma_wait3A_22 = arith.constant 0 : i32
        %dma_wait3A_23 = tpu.memref_slice %arg2[%dma_wait3A_21, %dma_wait3A_22] : memref<10240x128xf32, #tpu.memory_space<hbm>> -> memref<10240x128xf32, #tpu.memory_space<hbm>>
        tpu.wait_indirect_dma semaphore(%run_scoped3A : memref<!tpu.dma_semaphore, #tpu.memory_space<semaphore_mem>>) src(%dma_wait3A_23 : memref<10240x128xf32, #tpu.memory_space<hbm>>) dst(%arg9 : memref<128x128xf32, #tpu.memory_space<vmem>>)
        tpu.yield
      }) : () -> ()
      "tpu.region"() ({
        %run_scoped3A = tpu.sem_alloc : memref<!tpu.dma_semaphore, #tpu.memory_space<semaphore_mem>>
        %dma_start3A = arith.constant 0 : i32
        %dma_start3A_14 = tpu.memref_slice %arg8[%scan3A_13, %dma_start3A] : memref<79x128xi32, #tpu.memory_space<vmem>> -> memref<1x128xi32, #tpu.memory_space<vmem>>
        %dma_start3A_15 = tpu.memref_squeeze %dma_start3A_14 : memref<1x128xi32, #tpu.memory_space<vmem>> -> memref<128xi32, #tpu.memory_space<vmem>>
        %dma_start3A_16 = arith.constant 0 : i32
        %dma_start3A_17 = arith.constant 0 : i32
        %dma_start3A_18 = tpu.memref_slice %arg10[%dma_start3A_16, %dma_start3A_17] : memref<10240x128xf32, #tpu.memory_space<vmem_shared>> -> memref<10240x128xf32, #tpu.memory_space<vmem_shared>>
        tpu.enqueue_indirect_dma source(%arg9 : memref<128x128xf32, #tpu.memory_space<vmem>>) target(%dma_start3A_18 : memref<10240x128xf32, #tpu.memory_space<vmem_shared>>) offsets(%dma_start3A_15 : memref<128xi32, #tpu.memory_space<vmem>>) semaphore(%run_scoped3A : memref<!tpu.dma_semaphore, #tpu.memory_space<semaphore_mem>>) {add = true}
        %dma_wait3A = arith.constant 0 : i32
        %dma_wait3A_19 = tpu.memref_slice %arg8[%scan3A_13, %dma_wait3A] : memref<79x128xi32, #tpu.memory_space<vmem>> -> memref<1x128xi32, #tpu.memory_space<vmem>>
        %dma_wait3A_20 = tpu.memref_squeeze %dma_wait3A_19 : memref<1x128xi32, #tpu.memory_space<vmem>> -> memref<128xi32, #tpu.memory_space<vmem>>
        %dma_wait3A_21 = arith.constant 0 : i32
        %dma_wait3A_22 = arith.constant 0 : i32
        %dma_wait3A_23 = tpu.memref_slice %arg10[%dma_wait3A_21, %dma_wait3A_22] : memref<10240x128xf32, #tpu.memory_space<vmem_shared>> -> memref<10240x128xf32, #tpu.memory_space<vmem_shared>>
        tpu.wait_indirect_dma semaphore(%run_scoped3A : memref<!tpu.dma_semaphore, #tpu.memory_space<semaphore_mem>>) src(%arg9 : memref<128x128xf32, #tpu.memory_space<vmem>>) dst(%dma_wait3A_23 : memref<10240x128xf32, #tpu.memory_space<vmem_shared>>)
        tpu.yield
      }) : () -> ()
    }
    %scan3A_7 = arith.constant 79 : i32
    %barrier3A_8 = arith.constant 0 : index
    tpu.barrier barrier_id(%barrier3A_8)
    %mul3A_9 = arith.constant 640 : i32
    %mul3A_10 = arith.muli %arg1, %mul3A_9 : i32
    %mul3A_11 = arith.constant 640 : i32
    %mul3A_12 = arith.muli %arg1, %mul3A_11 : i32
    "tpu.region"() ({
      %run_scoped3A = tpu.sem_alloc : memref<!tpu.dma_semaphore, #tpu.memory_space<semaphore_mem>>
      %dma_start3A = arith.constant 0 : i32
      %dma_start3A_13 = tpu.memref_slice %arg6[%arg0, %mul3A_12, %dma_start3A] : memref<2x10240x128xf32, #tpu.memory_space<hbm>> -> memref<1x640x128xf32, #tpu.memory_space<hbm>>
      %dma_start3A_14 = tpu.memref_squeeze %dma_start3A_13 : memref<1x640x128xf32, #tpu.memory_space<hbm>> -> memref<640x128xf32, #tpu.memory_space<hbm>>
      %dma_start3A_15 = arith.constant 0 : i32
      %dma_start3A_16 = tpu.memref_slice %arg10[%mul3A_10, %dma_start3A_15] : memref<10240x128xf32, #tpu.memory_space<vmem_shared>> -> memref<640x128xf32, #tpu.memory_space<vmem_shared>>
      tpu.enqueue_dma source(%dma_start3A_16 : memref<640x128xf32, #tpu.memory_space<vmem_shared>>) target(%dma_start3A_14 : memref<640x128xf32, #tpu.memory_space<hbm>>) target_semaphore(%run_scoped3A : memref<!tpu.dma_semaphore, #tpu.memory_space<semaphore_mem>>)
      %dma_wait3A = arith.constant 0 : i32
      %dma_wait3A_17 = tpu.memref_slice %arg6[%arg0, %mul3A_12, %dma_wait3A] : memref<2x10240x128xf32, #tpu.memory_space<hbm>> -> memref<1x640x128xf32, #tpu.memory_space<hbm>>
      %dma_wait3A_18 = tpu.memref_squeeze %dma_wait3A_17 : memref<1x640x128xf32, #tpu.memory_space<hbm>> -> memref<640x128xf32, #tpu.memory_space<hbm>>
      %dma_wait3A_19 = arith.constant 0 : i32
      %dma_wait3A_20 = tpu.memref_slice %arg10[%mul3A_10, %dma_wait3A_19] : memref<10240x128xf32, #tpu.memory_space<vmem_shared>> -> memref<640x128xf32, #tpu.memory_space<vmem_shared>>
      tpu.wait_dma2 semaphore(%run_scoped3A : memref<!tpu.dma_semaphore, #tpu.memory_space<semaphore_mem>>) src(%dma_wait3A_20 : memref<640x128xf32, #tpu.memory_space<vmem_shared>>) dst(%dma_wait3A_18 : memref<640x128xf32, #tpu.memory_space<hbm>>)
      tpu.yield
    }) : () -> ()
    return
  }
}

module attributes {stable_mosaic.version = 14 : i64} {
  func.func @_hist_body(%arg0: i32, %arg1: memref<1x1x2048xi32, #tpu.memory_space<vmem>>, %arg2: memref<80x128xf32, #tpu.memory_space<vmem>>) attributes {dimension_semantics = [#tpu.dimension_semantics<arbitrary>], iteration_bounds = array<i64: 158>, scalar_prefetch = 0 : i64, scratch_operands = 0 : i64, tpu.core_type = #tpu.core_type<tc>, window_params = [{transform_indices = @transform_0, window_bounds = array<i64: 1, 1, 2048>}, {pipeline_mode = #tpu.pipeline_mode<synchronous>, transform_indices = @transform_1, window_bounds = array<i64: 80, 128>}]} {
    %eq3A = arith.constant 0 : i32
    %eq3A_0 = arith.cmpi eq, %arg0, %eq3A : i32
    %convert_element_type3A = arith.extui %eq3A_0 : i1 to i32
    %cond3A = arith.constant 0 : i32
    %cond3A_1 = arith.cmpi ne, %convert_element_type3A, %cond3A : i32
    scf.if %cond3A_1 {
      %broadcast_in_dim3A = arith.constant 0.000000e+00 : f32
      %broadcast_in_dim3A_29 = vector.broadcast %broadcast_in_dim3A : f32 to vector<80x128xf32>
      %swap3A_30 = arith.constant 0 : index
      %swap3A_31 = arith.constant 0 : index
      %swap3A_32 = vector.load %arg2[%swap3A_30, %swap3A_31] : memref<80x128xf32, #tpu.memory_space<vmem>>, vector<80x128xf32>
      tpu.vector_store %arg2[%swap3A_30, %swap3A_31], %broadcast_in_dim3A_29 {strides = array<i32>} : memref<80x128xf32, #tpu.memory_space<vmem>>, vector<80x128xf32>,
    } else {
    }
    %get3A = arith.constant 0 : index
    %get3A_2 = arith.constant 0 : index
    %get3A_3 = arith.constant 0 : index
    %get3A_4 = vector.load %arg1[%get3A, %get3A_2, %get3A_3] : memref<1x1x2048xi32, #tpu.memory_space<vmem>>, vector<1x1x2048xi32>
    %get3A_5 = vector.shape_cast %get3A_4 : vector<1x1x2048xi32> to vector<1x2048xi32>
    %iota3A = tpu.iota {dimensions = array<i32: 0>} : vector<80x1xi32>
    %iota3A_6 = tpu.iota {dimensions = array<i32: 0>} : vector<128x1xi32>
    %shift_right_arithmetic3A = arith.constant 7 : i32
    %shift_right_arithmetic3A_7 = vector.broadcast %shift_right_arithmetic3A : i32 to vector<1x2048xi32>
    %shift_right_arithmetic3A_8 = arith.shrsi %get3A_5, %shift_right_arithmetic3A_7 : vector<1x2048xi32>
    %eq3A_9 = vector.broadcast %shift_right_arithmetic3A_8 : vector<1x2048xi32> to vector<80x2048xi32>
    %eq3A_10 = vector.broadcast %iota3A : vector<80x1xi32> to vector<80x2048xi32>
    %eq3A_11 = arith.cmpi eq, %eq3A_9, %eq3A_10 : vector<80x2048xi32>
    %convert_element_type3A_12 = arith.extui %eq3A_11 : vector<80x2048xi1> to vector<80x2048xi32>
    %convert_element_type3A_13 = arith.sitofp %convert_element_type3A_12 : vector<80x2048xi32> to vector<80x2048xf32>
    %convert_element_type3A_14 = arith.truncf %convert_element_type3A_13 : vector<80x2048xf32> to vector<80x2048xbf16>
    %and3A = arith.constant 127 : i32
    %and3A_15 = vector.broadcast %and3A : i32 to vector<1x2048xi32>
    %and3A_16 = arith.andi %get3A_5, %and3A_15 : vector<1x2048xi32>
    %eq3A_17 = vector.broadcast %and3A_16 : vector<1x2048xi32> to vector<128x2048xi32>
    %eq3A_18 = vector.broadcast %iota3A_6 : vector<128x1xi32> to vector<128x2048xi32>
    %eq3A_19 = arith.cmpi eq, %eq3A_17, %eq3A_18 : vector<128x2048xi32>
    %convert_element_type3A_20 = arith.extui %eq3A_19 : vector<128x2048xi1> to vector<128x2048xi32>
    %convert_element_type3A_21 = arith.sitofp %convert_element_type3A_20 : vector<128x2048xi32> to vector<128x2048xf32>
    %convert_element_type3A_22 = arith.truncf %convert_element_type3A_21 : vector<128x2048xf32> to vector<128x2048xbf16>
    %get3A_23 = arith.constant 0 : index
    %get3A_24 = arith.constant 0 : index
    %get3A_25 = vector.load %arg2[%get3A_23, %get3A_24] : memref<80x128xf32, #tpu.memory_space<vmem>>, vector<80x128xf32>
    %dot_general3A = arith.constant dense<0.000000e+00> : vector<80x128xf32>
    %dot_general3A_26 = tpu.matmul %convert_element_type3A_14, %convert_element_type3A_22, %dot_general3A {dimension_numbers = #tpu.dot_dimension_numbers<[1], [1], [0], [0], [0, 0, 1, 0], [], []>, transpose_lhs_hint = false} : vector<80x2048xbf16>, vector<128x2048xbf16>, vector<80x128xf32> -> vector<80x128xf32>
    %add3A = arith.addf %get3A_25, %dot_general3A_26 : vector<80x128xf32>
    %swap3A = arith.constant 0 : index
    %swap3A_27 = arith.constant 0 : index
    %swap3A_28 = vector.load %arg2[%swap3A, %swap3A_27] : memref<80x128xf32, #tpu.memory_space<vmem>>, vector<80x128xf32>
    tpu.vector_store %arg2[%swap3A, %swap3A_27], %add3A {strides = array<i32>} : memref<80x128xf32, #tpu.memory_space<vmem>>, vector<80x128xf32>,
    return
  }
  func.func @transform_0(%arg0: i32) -> (i32, i32, i32) {
    %c0_i32 = arith.constant 0 : i32
    %c0_i32_0 = arith.constant 0 : i32
    %c0_i32_1 = arith.constant 0 : i32
    return %arg0, %c0_i32, %c0_i32_0 : i32, i32, i32
  }
  func.func @transform_1(%arg0: i32) -> (i32, i32) {
    %c0_i32 = arith.constant 0 : i32
    %c0_i32_0 = arith.constant 0 : i32
    %c0_i32_1 = arith.constant 0 : i32
    return %c0_i32, %c0_i32_0 : i32, i32
  }
}

module attributes {stable_mosaic.version = 14 : i64} {
  func.func @_g_body(%arg0: i32, %arg1: memref<1280x128xf32, #tpu.memory_space<vmem>>, %arg2: memref<128x128xf32, #tpu.memory_space<vmem>>, %arg3: memref<1280x1xf32, #tpu.memory_space<vmem>>, %arg4: memref<1280x128xf32, #tpu.memory_space<vmem>>) attributes {dimension_semantics = [#tpu.dimension_semantics<arbitrary>], iteration_bounds = array<i64: 8>, scalar_prefetch = 0 : i64, scratch_operands = 0 : i64, tpu.core_type = #tpu.core_type<tc>, window_params = [{transform_indices = @transform_0, window_bounds = array<i64: 1280, 128>}, {pipeline_mode = #tpu.pipeline_mode<synchronous>, transform_indices = @transform_1, window_bounds = array<i64: 128, 128>}, {transform_indices = @transform_2, window_bounds = array<i64: 1280, 1>}, {transform_indices = @transform_3, window_bounds = array<i64: 1280, 128>}]} {
    %get3A = arith.constant 0 : index
    %get3A_0 = arith.constant 0 : index
    %get3A_1 = vector.load %arg3[%get3A, %get3A_0] : memref<1280x1xf32, #tpu.memory_space<vmem>>, vector<1280x1xf32>
    %add3A = arith.constant 1.000000e+00 : f32
    %add3A_2 = vector.broadcast %add3A : f32 to vector<1280x1xf32>
    %add3A_3 = arith.addf %add3A_2, %get3A_1 : vector<1280x1xf32>
    %rsqrt3A = math.rsqrt %add3A_3 : vector<1280x1xf32>
    %get3A_4 = arith.constant 0 : index
    %get3A_5 = arith.constant 0 : index
    %get3A_6 = vector.load %arg1[%get3A_4, %get3A_5] : memref<1280x128xf32, #tpu.memory_space<vmem>>, vector<1280x128xf32>
    %get3A_7 = arith.constant 0 : index
    %get3A_8 = arith.constant 0 : index
    %get3A_9 = vector.load %arg2[%get3A_7, %get3A_8] : memref<128x128xf32, #tpu.memory_space<vmem>>, vector<128x128xf32>
    %dot_general3A = arith.constant dense<0.000000e+00> : vector<1280x128xf32>
    %dot_general3A_10 = tpu.matmul %get3A_6, %get3A_9, %dot_general3A {dimension_numbers = #tpu.dot_dimension_numbers<[1], [0], [0], [1], [0, 0, 1, 1], [], []>, transpose_lhs_hint = false} : vector<1280x128xf32>, vector<128x128xf32>, vector<1280x128xf32> -> vector<1280x128xf32>
    %mul3A = vector.broadcast %rsqrt3A : vector<1280x1xf32> to vector<1280x128xf32>
    %mul3A_11 = arith.mulf %dot_general3A_10, %mul3A : vector<1280x128xf32>
    %swap3A = arith.constant 0 : index
    %swap3A_12 = arith.constant 0 : index
    %swap3A_13 = vector.load %arg4[%swap3A, %swap3A_12] : memref<1280x128xf32, #tpu.memory_space<vmem>>, vector<1280x128xf32>
    tpu.vector_store %arg4[%swap3A, %swap3A_12], %mul3A_11 {strides = array<i32>} : memref<1280x128xf32, #tpu.memory_space<vmem>>, vector<1280x128xf32>,
    return
  }
  func.func @transform_0(%arg0: i32) -> (i32, i32) {
    %c0_i32 = arith.constant 0 : i32
    %c0_i32_0 = arith.constant 0 : i32
    return %arg0, %c0_i32 : i32, i32
  }
  func.func @transform_1(%arg0: i32) -> (i32, i32) {
    %c0_i32 = arith.constant 0 : i32
    %c0_i32_0 = arith.constant 0 : i32
    %c0_i32_1 = arith.constant 0 : i32
    return %c0_i32, %c0_i32_0 : i32, i32
  }
  func.func @transform_2(%arg0: i32) -> (i32, i32) {
    %c0_i32 = arith.constant 0 : i32
    %c0_i32_0 = arith.constant 0 : i32
    return %arg0, %c0_i32 : i32, i32
  }
  func.func @transform_3(%arg0: i32) -> (i32, i32) {
    %c0_i32 = arith.constant 0 : i32
    %c0_i32_0 = arith.constant 0 : i32
    return %arg0, %c0_i32 : i32, i32
  }
}

module attributes {stable_mosaic.version = 14 : i64} {
  func.func @_out_body(%arg0: i32, %arg1: memref<2x1280x128xf32, #tpu.memory_space<vmem>>, %arg2: memref<1280x128xf32, #tpu.memory_space<vmem>>, %arg3: memref<1280x1xf32, #tpu.memory_space<vmem>>, %arg4: memref<1x128xf32, #tpu.memory_space<vmem>>, %arg5: memref<1280x128xf32, #tpu.memory_space<vmem>>) attributes {dimension_semantics = [#tpu.dimension_semantics<arbitrary>], iteration_bounds = array<i64: 8>, scalar_prefetch = 0 : i64, scratch_operands = 0 : i64, tpu.core_type = #tpu.core_type<tc>, window_params = [{transform_indices = @transform_0, window_bounds = array<i64: 2, 1280, 128>}, {transform_indices = @transform_1, window_bounds = array<i64: 1280, 128>}, {transform_indices = @transform_2, window_bounds = array<i64: 1280, 1>}, {pipeline_mode = #tpu.pipeline_mode<synchronous>, transform_indices = @transform_3, window_bounds = array<i64: 1, 128>}, {transform_indices = @transform_4, window_bounds = array<i64: 1280, 128>}]} {
    %get3A = arith.constant 0 : index
    %get3A_0 = arith.constant 0 : index
    %get3A_1 = vector.load %arg3[%get3A, %get3A_0] : memref<1280x1xf32, #tpu.memory_space<vmem>>, vector<1280x1xf32>
    %add3A = arith.constant 1.000000e+00 : f32
    %add3A_2 = vector.broadcast %add3A : f32 to vector<1280x1xf32>
    %add3A_3 = arith.addf %add3A_2, %get3A_1 : vector<1280x1xf32>
    %rsqrt3A = math.rsqrt %add3A_3 : vector<1280x1xf32>
    %get3A_4 = arith.constant 0 : index
    %get3A_5 = arith.constant 0 : index
    %get3A_6 = arith.constant 0 : index
    %get3A_7 = vector.load %arg1[%get3A_4, %get3A_5, %get3A_6] : memref<2x1280x128xf32, #tpu.memory_space<vmem>>, vector<1x1280x128xf32>
    %get3A_8 = vector.shape_cast %get3A_7 : vector<1x1280x128xf32> to vector<1280x128xf32>
    %get3A_9 = arith.constant 1 : index
    %get3A_10 = arith.constant 0 : index
    %get3A_11 = arith.constant 0 : index
    %get3A_12 = vector.load %arg1[%get3A_9, %get3A_10, %get3A_11] : memref<2x1280x128xf32, #tpu.memory_space<vmem>>, vector<1x1280x128xf32>
    %get3A_13 = vector.shape_cast %get3A_12 : vector<1x1280x128xf32> to vector<1280x128xf32>
    %add3A_14 = arith.addf %get3A_8, %get3A_13 : vector<1280x128xf32>
    %get3A_15 = arith.constant 0 : index
    %get3A_16 = arith.constant 0 : index
    %get3A_17 = vector.load %arg2[%get3A_15, %get3A_16] : memref<1280x128xf32, #tpu.memory_space<vmem>>, vector<1280x128xf32>
    %add3A_18 = arith.addf %add3A_14, %get3A_17 : vector<1280x128xf32>
    %mul3A = vector.broadcast %rsqrt3A : vector<1280x1xf32> to vector<1280x128xf32>
    %mul3A_19 = arith.mulf %mul3A, %add3A_18 : vector<1280x128xf32>
    %get3A_20 = arith.constant 0 : index
    %get3A_21 = arith.constant 0 : index
    %get3A_22 = vector.load %arg4[%get3A_20, %get3A_21] : memref<1x128xf32, #tpu.memory_space<vmem>>, vector<1x128xf32>
    %add3A_23 = vector.broadcast %get3A_22 : vector<1x128xf32> to vector<1280x128xf32>
    %add3A_24 = arith.addf %mul3A_19, %add3A_23 : vector<1280x128xf32>
    %swap3A = arith.constant 0 : index
    %swap3A_25 = arith.constant 0 : index
    %swap3A_26 = vector.load %arg5[%swap3A, %swap3A_25] : memref<1280x128xf32, #tpu.memory_space<vmem>>, vector<1280x128xf32>
    tpu.vector_store %arg5[%swap3A, %swap3A_25], %add3A_24 {strides = array<i32>} : memref<1280x128xf32, #tpu.memory_space<vmem>>, vector<1280x128xf32>,
    return
  }
  func.func @transform_0(%arg0: i32) -> (i32, i32, i32) {
    %c0_i32 = arith.constant 0 : i32
    %c0_i32_0 = arith.constant 0 : i32
    %c0_i32_1 = arith.constant 0 : i32
    return %c0_i32, %arg0, %c0_i32_0 : i32, i32, i32
  }
  func.func @transform_1(%arg0: i32) -> (i32, i32) {
    %c0_i32 = arith.constant 0 : i32
    %c0_i32_0 = arith.constant 0 : i32
    return %arg0, %c0_i32 : i32, i32
  }
  func.func @transform_2(%arg0: i32) -> (i32, i32) {
    %c0_i32 = arith.constant 0 : i32
    %c0_i32_0 = arith.constant 0 : i32
    return %arg0, %c0_i32 : i32, i32
  }
  func.func @transform_3(%arg0: i32) -> (i32, i32) {
    %c0_i32 = arith.constant 0 : i32
    %c0_i32_0 = arith.constant 0 : i32
    %c0_i32_1 = arith.constant 0 : i32
    return %c0_i32, %c0_i32_0 : i32, i32
  }
  func.func @transform_4(%arg0: i32) -> (i32, i32) {
    %c0_i32 = arith.constant 0 : i32
    %c0_i32_0 = arith.constant 0 : i32
    return %arg0, %c0_i32 : i32, i32
  }
}

</mosaic_0001>

<sc_bundles>
// kernel: kernel.6.cloned.1.call-start
scs
__scs_entry_jumppad:
0x0: {  	(pc) =	sbr.rel $0x88, $3  }
0x1: {  	(tag) =	ssettag $0x0;
	lr =	simm.s32 $0x1  }
0x2: {  	[smem:$0x3F9D] =	sst lr;
	_ =	strace $0xD0000000  }
0x3: {  	_ = 	snop  }
0x4: {  	_ = 	snop  }
0x5: {  	_ = 	snop  }
0x6: {  	_ = 	snop  }
0x7: {  	_ = 	snop  }
__scs_overlays_trampoline_lowered:
0x8: {  	[smem:$0x3FAC] =	sst s0  }
0x9: {  	[smem:$0x3FAD] =	sst s1  }
0xa: {  	[smem:$0x3FAE] =	sst s2  }
0xb: {  	[smem:$0x3FAF] =	sst s3  }
0xc: {  	[smem:$0x3FB0] =	sst s4  }
0xd: {  	[smem:$0x3FB1] =	sst s5  }
0xe: {  	[smem:$0x3FB2] =	sst s6  }
0xf: {  	[smem:$0x3FB3] =	sst s7  }
0x10: {  	[smem:$0x3FB4] =	sst s8  }
0x11: {  	[smem:$0x3FB5] =	sst s9;
	s0 =	simm.s32 @!p0 $0x0  }
0x12: {  	s1 =	sld [smem:$0x3F9B];
	s0 =	simm.s32 @p0 $0x1  }
0x13: {  	[smem:$0x3FB6] =	sst s0;
	s0 =	simm.s32 @!p1 $0x0  }
0x14: {  	s2 =	sld [smem:$0x3F9A];
	s0 =	simm.s32 @p1 $0x1  }
0x15: {  	[smem:$0x3FB7] =	sst s0;
	s0 =	simm.s32 @!p2 $0x0  }
0x16: {  	s3 =	sld [smem:$0x3FDB];
	s0 =	simm.s32 @p2 $0x1  }
0x17: {  	s4 =	simm.s32 $0x1BF5;
	[smem:$0x3FB9] =	sst s0  }
0x18: {  	s0 =	sld [smem:$0x3F9C];
	_ =	swait.ge [sflag:s4], $0x0  }
0x19: {  	s7 =	sld [smem:$0x3F9D]  }
0x1a: {  	s8 =	sadd.s32 $0xFFFFE003, lr  }
0x1b: {  	s9 =	sadd.s32 $0xFFFFFEF7, lr;
	s5 =	simm.s32 $0xFFFFFFFF;
	p2 =	slt.u32 s8, $0xFFFFF086  }
0x1c: {  	p1 =	slt.u32 s9, $0xF7A;
	s5 =	simm.s32 @!p2 $0x0  }
0x1d: {  	s5 =	simm.s32 @p1 $0x1;
	p0 =	seq.s32 s7, s2  }
0x1e: {  	s7 =	smul.u32 @!p0 $0xF7A, s2;
	p2 =	seq.s32 @!p0 s5, $0x0  }
0x1f: {  	s9 =	smul.u32 $0xF7A, s1;
	s8 =	simm.s32 @!p0 $0x1BF5;
	p2 =	por !p2, p0  }
0x20: {  	[sflag:s8] =	ssyncset.s32 @!p0 $0xFFFFF086;
	s6 =	sadd.s32 @!p0 s3, s7;
	s7 =	simm.s32 @!p0 $0x108  }
0x21: {  	s3 =	sadd.s32 s3, s9;
	s6 =	sadd.s32 @!p0 $0x88, s6;
	s7 =	simm.s32 @p2 $0x1082  }
0x22: {  	[simem:s7], [sflag:s8] =	dma.local @!p0 [hbm:s6], $0xF7A  }
0x23: {  	s9 =	sor.u32 $0xD0000000, s2;
	s6 =	simm.s32 $0x108;
	_ =	swait.ge @!p0 [sflag:s8], $0x0  }
0x24: {  	s3 =	sadd.s32 $0x88, s3;
	s6 =	simm.s32 @!p1 $0x1082;
	[sflag:s4] =	ssyncset.s32 $0xFFFFF086  }
0x25: {  	[simem:s6], [sflag:s4] =	dma.local [hbm:s3], $0xF7A  }
0x26: {  	[smem:$0x3F9D] =	sst s1;
	(tag) =	ssettag s2;
	_ =	strace s9  }
0x27: {  	s1 =	sld [smem:$0x3FAD]  }
0x28: {  	s2 =	sld [smem:$0x3FAE]  }
0x29: {  	s4 =	sld [smem:$0x3FB0]  }
0x2a: {  	p0 =	seq.s32 s5, $0x0;
	s5 =	sld [smem:$0x3FB1]  }
0x2b: {  	s6 =	sld [smem:$0x3FB2]  }
0x2c: {  	s7 =	sld [smem:$0x3FB3]  }
0x2d: {  	s3 =	simm.s32 $0x108;
	s8 =	sld [smem:$0x3FB4]  }
0x2e: {  	s3 =	simm.s32 @!p0 $0x1082;
	s9 =	sld [smem:$0x3FB5]  }
0x2f: {  	lr =	sadd.s32 s0, s3;
	s0 =	sld [smem:$0x3FAC]  }
0x30: {  	s3 =	sld [smem:$0x3FAF]  }
0x31: {  	[smem:$0x3FB8] =	sst s10  }
0x32: {  	s10 =	sld [smem:$0x3FB6];
	_ =	sdelay $0x3  }
0x33: {  	p0 =	seq.s32 s10, $0x1;
	s10 =	sld [smem:$0x3FB8];
	_ =	sdelay $0x3  }
0x34: {  	[smem:$0x3FB8] =	sst s10  }
0x35: {  	s10 =	sld [smem:$0x3FB7];
	_ =	sdelay $0x3  }
0x36: {  	p1 =	seq.s32 s10, $0x1;
	s10 =	sld [smem:$0x3FB8];
	_ =	sdelay $0x3  }
0x37: {  	[smem:$0x3FB8] =	sst s10  }
0x38: {  	s10 =	sld [smem:$0x3FB9]  }
0x39: {  	_ = 	snop;
	(pc) =	sbr.ind lr, $3  }
0x3a: {  	_ = 	snop  }
0x3b: {  	_ = 	snop  }
0x3c: {  	p2 =	seq.s32 s10, $0x1;
	s10 =	sld [smem:$0x3FB8]  }
0x3d: {  	_ =	shalt  }
0x3e: {  	_ =	shalt  }
0x3f: {  	_ =	shalt  }
0x40: {  	_ =	shalt  }
0x41: {  	_ =	shalt  }
0x42: {  	_ =	shalt  }
0x43: {  	_ =	shalt  }
0x44: {  	_ =	shalt  }
0x45: {  	_ =	shalt  }
0x46: {  	_ =	shalt  }
0x47: {  	_ =	shalt  }
0x48: {  	_ =	shalt  }
0x49: {  	_ =	shalt  }
0x4a: {  	_ =	shalt  }
0x4b: {  	_ =	shalt  }
0x4c: {  	_ =	shalt  }
0x4d: {  	_ =	shalt  }
0x4e: {  	_ =	shalt  }
0x4f: {  	_ =	shalt  }
0x50: {  	_ =	shalt  }
0x51: {  	_ =	shalt  }
0x52: {  	_ =	shalt  }
0x53: {  	_ =	shalt  }
0x54: {  	_ =	shalt  }
0x55: {  	_ =	shalt  }
0x56: {  	_ =	shalt  }
0x57: {  	_ =	shalt  }
0x58: {  	_ =	shalt  }
0x59: {  	_ =	shalt  }
0x5a: {  	_ =	shalt  }
0x5b: {  	_ =	shalt  }
0x5c: {  	_ =	shalt  }
0x5d: {  	_ =	shalt  }
0x5e: {  	_ =	shalt  }
0x5f: {  	_ =	shalt  }
0x60: {  	_ =	shalt  }
0x61: {  	_ =	shalt  }
0x62: {  	_ =	shalt  }
0x63: {  	_ =	shalt  }
0x64: {  	_ =	shalt  }
0x65: {  	_ =	shalt  }
0x66: {  	_ =	shalt  }
0x67: {  	_ =	shalt  }
0x68: {  	_ =	shalt  }
0x69: {  	_ =	shalt  }
0x6a: {  	_ =	shalt  }
0x6b: {  	_ =	shalt  }
0x6c: {  	_ =	shalt  }
0x6d: {  	_ =	shalt  }
0x6e: {  	_ =	shalt  }
0x6f: {  	_ =	shalt  }
0x70: {  	_ =	shalt  }
0x71: {  	_ =	shalt  }
0x72: {  	_ =	shalt  }
0x73: {  	_ =	shalt  }
0x74: {  	_ =	shalt  }
0x75: {  	_ =	shalt  }
0x76: {  	_ =	shalt  }
0x77: {  	_ =	shalt  }
0x78: {  	_ =	shalt  }
0x79: {  	_ =	shalt  }
0x7a: {  	_ =	shalt  }
0x7b: {  	_ =	shalt  }
0x7c: {  	_ =	shalt  }
0x7d: {  	_ =	shalt  }
0x7e: {  	_ =	shalt  }
0x7f: {  	_ =	shalt  }
0x80: {  	_ =	shalt  }
0x81: {  	_ =	shalt  }
0x82: {  	_ =	shalt  }
0x83: {  	_ =	shalt  }
0x84: {  	_ =	shalt  }
0x85: {  	_ =	shalt  }
0x86: {  	_ =	shalt  }
0x87: {  	_ =	shalt  }
.Lfunc_end0:
.L_simem_size_0:
called_computation_lowered:
.L_overlay_start_0:
0x88: {  	s2 =	sld [smem:$0x3FD9]  }
0x89: {  	s3 =	sld [smem:$0x3FFE];
	_ =	sdelay $0x1  }
0x8a: {  	s1 =	srdreg.scid  }
0x8b: {  	s0 =	sand.u32 $0x1, s1  }
0x8c: {  	s17 =	sshll.u32 s0, $0xA;
	s2 =	sadd.s32 s3, s2  }
0x8d: {  	s2 =	sadd.s32 s2, s17  }
0x8e: {  	[smem:$0x3FC4] =	sst s2  }
0x8f: {  	_ = 	snop  }
0x90: {  	s2 =	sld [smem:$0x3FD0];
	(tm) =	ssettm $0x1  }
0x91: {  	s18 =	sld [smem:$0x3FFB];
	_ =	sdelay $0x3  }
0x92: {  	_ =	strace s18  }
0x93: {  	s3 =	sld [smem:$0x3FFC];
	_ =	sdelay $0x3  }
0x94: {  	_ =	strace s3  }
0x95: {  	s3 =	sld [smem:$0x3FFD];
	_ =	sdelay $0x3  }
0x96: {  	_ =	strace s3  }
0x97: {  	_ =	strace $0x8FFFFFFF  }
0x98: {  	s19 =	sld [smem:$0x3FDB];
	_ =	sdelay $0x1  }
0x99: {  	s4 =	simm.s32 $_scs_section_size  }
0x9a: {  	s5 =	simm.s32 $_size__tile_overlayer_lowered;
	s6 =	simm.s32 $_tile_overlayer_lowered  }
0x9b: {  	s22 =	simm.s32 $0x1BFF;
	s21 =	sshll.u32 s6, $0x1;
	s3 =	sadd.s32 s4, s19  }
0x9c: {  	s7 =	simm.s32 $0x0;
	s20 =	sshll.u32 s5, $0x1;
	s5 =	sadd.s32 s21, s3  }
0x9d: {  	[timem:s7], [sflag:s22] =	dma.local [hbm:s5], s20  }
0x9e: {  	_ =	swait.ge [sflag:s22], s20  }
0x9f: {  	s4 =	ssub.s32 $0x0, s20;
	[sflag:s22] =	ssyncset.done $0x0  }
0xa0: {  	[sflag:s22] =	ssyncadd.s32 s4;
	_ =	sdelay $0x1  }
0xa1: {  	s23 =	simm.s32 $0x1B8B  }
0xa2: {  	_ =	swait.ge [sflag:s23], $0x1  }
0xa3: {  	[sflag:s23] =	ssyncset.done $0x0  }
0xa4: {  	s25 =	simm.s32 $0x1B8E;
	s24 =	sld [smem:$0x3FFE];
	[sflag:s23] =	ssyncadd.s32 $0xFFFFFFFF  }
0xa5: {  	s26 =	simm.s32 $execute0_lowered;
	[smem:$0x3FD2] =	sst s25  }
0xa6: {  	s5 =	sshll.u32 s26, $0x1;
	_ =	strace $0x80000046;
	[dreg:$0x1] =	wrdreg $0xFFFFFFFF  }
0xa7: {  	s28 =	simm.s32 $_size_execute0_lowered;
	s3 =	sadd.s32 s3, s5;
	[dreg:$0x0] =	wrdreg $0x0  }
0xa8: {  	s5 =	sshll.u32 s28, $0x1;
	[dreg:$0x2] =	wrdreg s3  }
0xa9: {  	[dreg:$0x3] =	wrdreg s5  }
0xaa: {  	[dreg:$0x4] =	wrdreg $0xC0  }
0xab: {  	_ =	task [dreg:s7], $0x5FFFF  }
0xac: {  	[dreg:$0x1] =	wrdreg $0xFFFFFFFF  }
0xad: {  	[dreg:$0x0] =	wrdreg $0x60  }
0xae: {  	[dreg:$0x2] =	wrdreg s24  }
0xaf: {  	[dreg:$0x3] =	wrdreg s2  }
0xb0: {  	[dreg:$0x4] =	wrdreg $0x90000  }
0xb1: {  	[dreg:$0x5] =	wrdreg $0x9  }
0xb2: {  	_ =	task.clear_ibuf [dreg:s7], $0x6FFFF;
	_ =	strace $0x90000046  }
0xb3: {  	s29 =	simm.s32 $0x9;
	_ =	strace $0x80000048  }
0xb4: {  	_ =	swait.ge [sflag:s29], $0x1  }
0xb5: {  	[sflag:s29] =	ssyncadd.s32 $0xFFFFFFFF  }
0xb6: {  	_ =	strace $0x90000048  }
0xb7: {  	_ =	sfence  }
0xb8: {  	s30 =	sld [smem:$0x0];
	_ =	sdelay $0x2  }
0xb9: {  	s31 =	sshll.u32 s1, $0xD;
	s1 =	sshrl.u32 s1, $0x2  }
0xba: {  	s3 =	sand.u32 $0x4000, s31;
	s1 =	sadd.s32 s1, s30  }
0xbb: {  	s0 =	sor.u32 s3, s0;
	s1 =	sshll.u32 s1, $0x11  }
0xbc: {  	s0 =	sor.u32 s1, s0  }
0xbd: {  	s0 =	sadd.s32 $0x8F2B, s0  }
0xbe: {  	[sflag:s0] =	ssyncadd.remote.s32 $0x1  }
0xbf: {  	_ =	sfence.sel $0xFFFF  }
0xc0: {  	[dreg:$0x0] =	wrdreg $0xFFFFFFFF;
	(pc) =	sbr.abs _section_cstart, $3  }
0xc1: {  	[dreg:$0x1] =	wrdreg $0xFFFFFFFF  }
0xc2: {  	_ =	task.clear_ibuf [dreg:s7], $0x2FFFF;
	_ =	strace $0x9FFFFFFF  }
0xc3: {  	(tm) =	ssettm $0x7FFFFFFF  }
tec
execute0_lowered:
.L_overlay_start_1:
0x0: {  	(tag) =	ssettag $0x1  }
0x1: {  	s6 =	rddreg [dreg:$0x0]  }
0x2: {  	s0 =	srdreg.scid;
	s7 =	rddreg [dreg:$0x1]  }
0x3: {  	s2 =	rddreg [dreg:$0x2];
	s3 =	simm.s32 $0x0;
	s14 =	simm.s32 $0x80  }
0x4: {  	s15 =	simm.s32 $0x5000;
	s5 =	sand.u32 $0x1, s0;
	s0 =	stileid.u32  }
0x5: {  	s16 =	simm.s32 $0x0;
	[smem:$0x7FF] =	sst s3;
	s9 =	smul.u32 $0x140000, s5  }
0x6: {  	s4 =	sadd.s32 $0xB200, s6;
	s1 =	sshll.u32 s5, $0x4;
	s10 =	smul.u32 $0x14000, s0  }
0x7: {  	s28 =	ssub.s32 $0x2, s5;
	s12 =	smul.u32 $0x50000, s0;
	s5 =	sadd.s32 $0x33200, s6  }
0x8: {  	s31 =	sshll.u32 s0, $0x6;
	s1 =	sor.u32 s0, s1;
	s29 =	sshrl.u32 s28, $0x1  }
0x9: {  	s8 =	smul.u32 $0x500, s1;
	s1 =	rddreg [dreg:$0x3];
	_ =	strace $0x80000047  }
0xa: {  	s9 =	sadd.s32 s10, s9;
	s10 =	ssub.s32 s28, s29;
	s30 =	sshrl.u32 s12, $0x2  }
0xb: {  	s12 =	sor.u32 $0x1C01, s31;
	s9 =	sshrl.u32 s9, $0x3;
	s13 =	sadd.s32 s30, s2  }
0xc: {  	s11 =	sadd.s32 s8, s6;
	s9 =	sadd.s32 s9, s6;
	s6 =	sadd.s32 s7, s8  }
0xd: {  	s13 =	sshrl.u32 s13, $0x3;
	s7 =	sadd.s32 $0x1200, s11;
	s8 =	sadd.s32 $0x35A00, s9  }
0xe: {  	s9 =	smax.u32 s10, $0x1;
	s10 =	simm.s32 $0x1;
	s11 =	simm.s32 $0x2800  }
.LBB2_1:
0xf: {  	[tilespmem:s3], [sflag:$0x1] =	stream.linear.gather [hbm4b:s6+s3], $0x2780, $0x38;
	[tilespmem:$0x1D000] =	vst v63  }
0x10: {  	_ =	swait.ge [sflag:s10], $0x2780  }
0x11: {  	[sflag:s10] =	ssyncset.done $0x0  }
0x12: {  	[sflag:s10] =	ssyncadd.s32 $0xFFFFD880  }
0x13: {  	[tilespmem:s11], [sflag:$0x1] =	stream.linear.gather [hbm4b:s7+s3], $0x2780, $0x38;
	[tilespmem:$0x1D000] =	vst v63  }
0x14: {  	_ =	swait.ge [sflag:s10], $0x2780  }
0x15: {  	[sflag:s10] =	ssyncset.done $0x0  }
0x16: {  	[sflag:s10] =	ssyncadd.s32 $0xFFFFD880  }
0x17: {  	[spmem:s13], [sflag:s12] =	dma.local [hbm:s5], $0x2800  }
0x18: {  	_ =	swait.ge [sflag:s10], $0x2800  }
0x19: {  	[sflag:s10] =	ssyncset.done $0x0  }
0x1a: {  	[sflag:s10] =	ssyncadd.s32 $0xFFFFD800  }
0x1b: {  	s17 =	simm.s32 $0x0;
	[bflag:$0x0] =	sbarrier.arrive $0xFFFF  }
0x1c: {  	[tilespmem:s15], [sflag:$0x1] =	stream.indirect.gather [hbm4b:s4+s14], $0x80, s17, s14, $0xb8;
	[tilespmem:$0x1D000] =	vst v63  }
0x1d: {  	_ =	swait.ge [sflag:s10], $0x4000  }
0x1e: {  	[sflag:s10] =	ssyncset.done $0x0  }
0x1f: {  	s31 =	simm.s32 $0x2800;
	[sflag:s10] =	ssyncadd.s32 $0xFFFFC000  }
0x20: {  	[spmem:s2] =	stream.indirect.scatter.add.f32 [tilespmem:s15], [sflag:$0x1], $0x80, s31, s14, $0xb8;
	[tilespmem:$0x1D000] =	vst v63  }
0x21: {  	_ =	swait.ge [sflag:s10], $0x4000  }
0x22: {  	s18 =	simm.s32 $0x400;
	s17 =	simm.s32 $0x200;
	[sflag:s10] =	ssyncset.done $0x0  }
.LBB2_2:
0x23: {  	s19 =	sshra.s32 s17, $0x2  }
0x24: {  	[sflag:s10] =	ssyncadd.s32 $0xFFFFC000;
	s17 =	smov.u32 s18;
	s20 =	sadd.s32 $0x200, s18  }
0x25: {  	[tilespmem:s15], [sflag:$0x1] =	stream.indirect.gather [hbm4b:s4+s14], $0x80, s19, s14, $0xb8;
	[tilespmem:$0x1D000] =	vst v63  }
0x26: {  	p0 =	sne.s32 s18, $0x9C00;
	_ =	swait.ge [sflag:s10], $0x4000  }
.Ltmp0:
0x27: {  	[sflag:s10] =	ssyncset.done $0x0;
	(pc) =	sbr.rel @p0 .LBB2_2-.Ltmp0, $4  }
0x28: {  	s18 =	sadd.s32 $0x2800, s19;
	[sflag:s10] =	ssyncadd.s32 $0xFFFFC000  }
0x29: {  	[spmem:s2] =	stream.indirect.scatter.add.f32 [tilespmem:s15], [sflag:$0x1], $0x80, s18, s14, $0xb8;
	[tilespmem:$0x1D000] =	vst v63  }
0x2a: {  	_ =	swait.ge [sflag:s10], $0x4000  }
0x2b: {  	s18 =	smov.u32 s20;
	[sflag:s10] =	ssyncset.done $0x0  }
0x2c: {  	s17 =	sshra.s32 s17, $0x2;
	[sflag:s10] =	ssyncadd.s32 $0xFFFFC000  }
0x2d: {  	[tilespmem:s15], [sflag:$0x1] =	stream.indirect.gather [hbm4b:s4+s14], $0x80, s17, s14, $0xb8;
	[tilespmem:$0x1D000] =	vst v63  }
0x2e: {  	_ =	swait.ge [sflag:s10], $0x4000  }
0x2f: {  	[sflag:s10] =	ssyncset.done $0x0  }
0x30: {  	s17 =	sadd.s32 $0x2800, s17;
	[sflag:s10] =	ssyncadd.s32 $0xFFFFC000  }
0x31: {  	[spmem:s2] =	stream.indirect.scatter.add.f32 [tilespmem:s15], [sflag:$0x1], $0x80, s17, s14, $0xb8;
	[tilespmem:$0x1D000] =	vst v63  }
0x32: {  	_ =	swait.ge [sflag:s10], $0x4000  }
0x33: {  	s16 =	sadd.s32 $0x1, s16;
	[sflag:s10] =	ssyncset.done $0x0  }
0x34: {  	p0 =	sne.s32 s16, s9;
	[sflag:s10] =	ssyncadd.s32 $0xFFFFC000  }
.Ltmp1:
0x35: {  	[bflag:$0x0] =	sbarrier.arrive $0xFFFF;
	(pc) =	sbr.rel @p0 .LBB2_1-.Ltmp1, $4  }
0x36: {  	[hbm:s8], [sflag:s12] =	dma.local [spmem:s13], $0x2800  }
0x37: {  	_ =	swait.ge [sflag:s10], $0x2800  }
0x38: {  	[sflag:s10] =	ssyncset.done $0x0  }
0x39: {  	[sflag:s10] =	ssyncadd.s32 $0xFFFFD800  }
0x3a: {  	_ =	sfence.sel $0x180000  }
0x3b: {  	[bflag:$0x0] =	sbarrier.arrive $0xFFFF  }
0x3c: {  	p0 =	sne.s32 s0, $0x0;
	_ =	strace $0x90000047  }
0x3d: {  	s0 =	sadd.s32 @!p0 $0x100000, s1;
	[bflag:$0x2] =	sbarrier.arrive $0xFFFF  }
0x3e: {  	[sflag:s0] =	ssyncadd.tile.s32 @!p0 $0x1;
	_ =	shalt  }
.Lfunc_end2:
_tile_overlayer_lowered:
.L_overlay_start_2:
0x3f: {  	(tag) =	ssettag $0x2  }
0x40: {  	s0 =	rddreg [dreg:$0x0];
	s2 =	stileid.u32  }
0x41: {  	s1 =	rddreg [dreg:$0x1];
	p0 =	sne.s32 s2, $0x0  }
0x42: {  	s3 =	rddreg [dreg:$0x2];
	[bflag:$0x3] =	sbarrier.arrive $0xFFFF;
	s2 =	simm.s32 @!p0 $0x1C01  }
0x43: {  	[timem:s3], [sflag:s2] =	dma.local @!p0 [hbm:s0], s1  }
0x44: {  	s0 =	simm.s32 @!p0 $0x1  }
0x45: {  	_ =	swait.ge @!p0 [sflag:s0], s1  }
0x46: {  	s1 =	ssub.s32 @!p0 $0x0, s1;
	[sflag:s0] =	ssyncset.done @!p0 $0x0  }
0x47: {  	[sflag:s0] =	ssyncadd.s32 @!p0 s1  }
0x48: {  	[bflag:$0x3] =	sbarrier.arrive $0xFFFF  }
0x49: {  	_ =	shalt  }

</sc_bundles>
